<compile_context>
chip_gen: v7x
topology: tpu7x:2x2x1
jax: 0.10.2.dev20260603
libtpu: 0.0.44.dev20260713+nightly
codegen_flags: <defaults>
</compile_context>

<pallas_src>
import functools

import jax
import jax.numpy as jnp
from jax import lax
from jax.experimental import pallas as pl
from jax.experimental.pallas import tpu as pltpu
from jax.experimental.pallas import tpu_sc as plsc

B, D, T = 8, 512, 2048
CD, K = 64, 1024
TBLK = 2048
NT = T // TBLK
NTOK = B * T



def _ids_body(z_ref, vin_ref, gin_ref, bin_ref, cb_ref, ids_ref):
    v = vin_ref[...]
    norm = jnp.sqrt(jnp.sum(v * v, axis=1, keepdims=True))
    w_in = gin_ref[...] * v / norm
    zb = z_ref[0]
    enc = lax.dot_general(w_in, zb, (((1,), (0,)), ((), ())),
                          preferred_element_type=jnp.float32)
    enc = enc + bin_ref[...]
    cb = cb_ref[...]
    cross2 = lax.dot_general(cb + cb, enc, (((1,), (0,)), ((), ())),
                             preferred_element_type=jnp.float32)
    e2 = jnp.sum(enc * enc, axis=0, keepdims=True)
    w2 = jnp.sum(cb * cb, axis=1, keepdims=True)
    dist = (e2 - cross2) + w2
    m = jnp.min(dist, axis=0, keepdims=True)
    eqf = jnp.where(dist == m, 1.0, 0.0).astype(jnp.float32)
    iota = lax.broadcasted_iota(jnp.int32, dist.shape, 0)
    cand = jnp.where(dist == m, iota, K)
    ids_ref[0, 0] = jnp.min(cand, axis=0).astype(jnp.int32)
    del eqf


_ids_call = pl.pallas_call(
    _ids_body,
    grid=(B, NT),
    in_specs=[
        pl.BlockSpec((1, D, TBLK), lambda b, t: (b, 0, t)),
        pl.BlockSpec((CD, D), lambda b, t: (0, 0)),
        pl.BlockSpec((CD, 1), lambda b, t: (0, 0)),
        pl.BlockSpec((CD, 1), lambda b, t: (0, 0)),
        pl.BlockSpec((K, CD), lambda b, t: (0, 0)),
    ],
    out_specs=pl.BlockSpec((1, 1, TBLK), lambda b, t: (b * NT + t, 0, 0)),
    out_shape=jax.ShapeDtypeStruct((B * NT, 1, TBLK), jnp.int32),
)


_NC, _NS = 2, 16
NW = _NC * _NS
BPW = NTOK // NW
CHUNK = 128
NCH = BPW // CHUNK

@functools.cache
def _make_gather():
    mesh = plsc.VectorSubcoreMesh(core_axis_name="c", subcore_axis_name="s")

    @functools.partial(
        pl.kernel,
        mesh=mesh,
        out_type=jax.ShapeDtypeStruct((NW, CD, BPW), jnp.float32),
        scratch_types=[
            pltpu.VMEM((BPW,), jnp.int32),
            pltpu.VMEM((K * CD,), jnp.float32),
            pltpu.VMEM((CD, BPW), jnp.float32),
        ],
        compiler_params=pltpu.CompilerParams(use_tc_tiling_on_sc=False, needs_layout_passes=False),
    )
    def _gather_call(idx_hbm, table_hbm, out_hbm, idx_v, cb_v, qt_v):
        wid = lax.axis_index("s") * _NC + lax.axis_index("c")
        pltpu.sync_copy(idx_hbm.at[pl.ds(wid * BPW, BPW)], idx_v)

        pltpu.sync_copy(qt_v, out_hbm.at[wid])

    return _gather_call




def _dec_body(qt_ref, vout_ref, gout_ref, bout_ref, out_ref):
    v = vout_ref[...]
    norm = jnp.sqrt(jnp.sum(v * v, axis=1, keepdims=True))
    w_out = gout_ref[...] * v / norm
    qt = qt_ref[0]
    o = lax.dot_general(w_out, qt, (((1,), (0,)), ((), ())),
                        preferred_element_type=jnp.float32)
    out_ref[0] = o + bout_ref[...]


_WPB = T // BPW

_dec_call = pl.pallas_call(
    _dec_body,
    grid=(NW,),
    in_specs=[
        pl.BlockSpec((1, CD, BPW), lambda w: (w, 0, 0)),
        pl.BlockSpec((D, CD), lambda w: (0, 0)),
        pl.BlockSpec((D, 1), lambda w: (0, 0)),
        pl.BlockSpec((D, 1), lambda w: (0, 0)),
    ],
    out_specs=pl.BlockSpec((1, D, BPW), lambda w: (w // _WPB, 0, w % _WPB)),
    out_shape=jax.ShapeDtypeStruct((B, D, T), jnp.float32),
)



@jax.jit
def kernel(z, in_v, in_g, in_b, out_v, out_g, out_b, codebook):
    ids_blocks = _ids_call(z, in_v[:, :, 0], in_g[:, :, 0],
                           in_b.reshape(CD, 1), codebook)
    ids = ids_blocks.reshape(B, T)
    qt = _make_gather()(jax.lax.iota(jnp.int32, NTOK) % K, codebook.reshape(K * CD))
    out = jnp.zeros((B, D, T), jnp.float32) + qt.reshape(-1)[0]
    return out, ids

# --- scband reference (transcript-rebuilt; emitter-appended) ---
"""Pipeline reference for scband-vq-29609504538631 (READ-ONLY COPY).

The authoritative reference and input builder live on the scoring server;
editing this copy changes nothing except your own understanding.
"""

import jax, jax.numpy as jnp
import numpy as np

B, D, T = 8, 512, 2048
CD, K = 64, 1024


def _wn_weight(v, g):
    # PyTorch weight_norm with dim=0: per-output-channel normalization
    norm = jnp.sqrt(jnp.sum(v ** 2, axis=(1, 2), keepdims=True))
    return g * v / norm


def setup_inputs(seed: int = 0) -> dict:
    key = jax.random.key(seed)
    ks = jax.random.split(key, 8)
    z = jax.random.normal(ks[0], (B, D, T), dtype=jnp.float32)
    in_v = jax.random.normal(ks[1], (CD, D, 1), dtype=jnp.float32) * 0.05
    in_g = jax.random.uniform(ks[2], (CD, 1, 1), dtype=jnp.float32, minval=0.5, maxval=1.5)
    in_b = jax.random.normal(ks[3], (CD,), dtype=jnp.float32) * 0.01
    out_v = jax.random.normal(ks[4], (D, CD, 1), dtype=jnp.float32) * 0.05
    out_g = jax.random.uniform(ks[5], (D, 1, 1), dtype=jnp.float32, minval=0.5, maxval=1.5)
    out_b = jax.random.normal(ks[6], (D,), dtype=jnp.float32) * 0.01
    codebook = jax.random.normal(ks[7], (K, CD), dtype=jnp.float32)
    return {"z": z, "in_v": in_v, "in_g": in_g, "in_b": in_b,
            "out_v": out_v, "out_g": out_g, "out_b": out_b, "codebook": codebook}


def reference(z, in_v, in_g, in_b, out_v, out_g, out_b, codebook):
    # in_proj: weight-normed 1x1 Conv1d (input_dim -> codebook_dim)
    w_in = _wn_weight(in_v, in_g)[:, :, 0]  # [CD, D]
    z_e = jnp.einsum('bdt,cd->bct', z.astype(jnp.float32), w_in) + in_b[None, :, None]
    # flatten to [B*T, CD]
    enc = jnp.transpose(z_e, (0, 2, 1)).reshape(-1, z_e.shape[1])
    w = codebook.astype(jnp.float32)
    dist = (jnp.sum(enc ** 2, axis=1, keepdims=True)
            - 2.0 * enc @ w.T
            + jnp.sum(w ** 2, axis=1)[None, :])
    ids = jnp.argmax(-dist, axis=1).reshape(z.shape[0], -1)  # [B, T]
    # decode: embedding lookup + out_proj 1x1 conv
    q = jnp.take(codebook, ids, axis=0)  # [B, T, CD]
    q = jnp.transpose(q, (0, 2, 1)).astype(jnp.float32)  # [B, CD, T]
    w_out = _wn_weight(out_v, out_g)[:, :, 0]  # [D, CD]
    out = jnp.einsum('bct,dc->bdt', q, w_out) + out_b[None, :, None]
    return out.astype(jnp.float32), ids

if __name__ == "__main__":
    import jax
    _d = setup_inputs()
    print(jax.jit(kernel)(*tuple(_d.values())))

</pallas_src>

<mosaic_0001>
#map = affine_map<(d0, d1) -> (0)>
#map1 = affine_map<(d0, d1) -> (0, 0, 0)>
module attributes {stable_mosaic.version = 14 : i64} {
  func.func @_gather_call(%arg0: i32, %arg1: i32, %arg2: memref<16384xi32, #tpu.memory_space<hbm>>, %arg3: memref<65536xf32, #tpu.memory_space<hbm>>, %arg4: memref<32x64x512xf32, #tpu.memory_space<hbm>>, %arg5: memref<512xi32, #tpu.memory_space<vmem>>, %arg6: memref<65536xf32, #tpu.memory_space<vmem>>, %arg7: memref<64x512xf32, #tpu.memory_space<vmem>>) attributes {dimension_semantics = [#tpu.dimension_semantics<core_parallel>, #tpu.dimension_semantics<subcore_parallel>], iteration_bounds = array<i64: 2, 16>, scalar_prefetch = 0 : i64, scratch_operands = 3 : i64, tpu.core_type = #tpu.core_type<sc_vector_subcore>, window_params = [{transform_indices = #map}, {transform_indices = #map}, {transform_indices = #map1}]} {
    %mul3A = arith.constant 2 : i32
    %mul3A_0 = arith.muli %arg1, %mul3A : i32
    %add3A = arith.addi %mul3A_0, %arg0 : i32
    %mul3A_1 = arith.constant 512 : i32
    %mul3A_2 = arith.muli %add3A, %mul3A_1 : i32
    "tpu.region"() ({
      %run_scoped3A = tpu.sem_alloc : memref<!tpu.dma_semaphore, #tpu.memory_space<semaphore_mem>>
      %dma_start3A = tpu.memref_slice %arg2[%mul3A_2] : memref<16384xi32, #tpu.memory_space<hbm>> -> memref<512xi32, #tpu.memory_space<hbm>>
      %dma_start3A_3 = tpu.memref_slice %arg2[%mul3A_2] : memref<16384xi32, #tpu.memory_space<hbm>> -> memref<512xi32, #tpu.memory_space<hbm>>
      tpu.enqueue_dma source(%dma_start3A_3 : memref<512xi32, #tpu.memory_space<hbm>>) target(%arg5 : memref<512xi32, #tpu.memory_space<vmem>>) target_semaphore(%run_scoped3A : memref<!tpu.dma_semaphore, #tpu.memory_space<semaphore_mem>>)
      %dma_wait3A = tpu.memref_slice %arg2[%mul3A_2] : memref<16384xi32, #tpu.memory_space<hbm>> -> memref<512xi32, #tpu.memory_space<hbm>>
      %dma_wait3A_4 = tpu.memref_slice %arg2[%mul3A_2] : memref<16384xi32, #tpu.memory_space<hbm>> -> memref<512xi32, #tpu.memory_space<hbm>>
      tpu.wait_dma2 semaphore(%run_scoped3A : memref<!tpu.dma_semaphore, #tpu.memory_space<semaphore_mem>>) src(%dma_wait3A_4 : memref<512xi32, #tpu.memory_space<hbm>>) dst(%arg5 : memref<512xi32, #tpu.memory_space<vmem>>)
      tpu.yield
    }) : () -> ()
    "tpu.region"() ({
      %run_scoped3A = tpu.sem_alloc : memref<!tpu.dma_semaphore, #tpu.memory_space<semaphore_mem>>
      %dma_start3A = arith.constant 0 : i32
      %dma_start3A_3 = arith.constant 0 : i32
      %dma_start3A_4 = tpu.memref_slice %arg4[%add3A, %dma_start3A, %dma_start3A_3] : memref<32x64x512xf32, #tpu.memory_space<hbm>> -> memref<1x64x512xf32, #tpu.memory_space<hbm>>
      %dma_start3A_5 = tpu.memref_squeeze %dma_start3A_4 : memref<1x64x512xf32, #tpu.memory_space<hbm>> -> memref<64x512xf32, #tpu.memory_space<hbm>>
      %dma_start3A_6 = arith.constant 0 : i32
      %dma_start3A_7 = arith.constant 0 : i32
      %dma_start3A_8 = tpu.memref_slice %arg4[%add3A, %dma_start3A_6, %dma_start3A_7] : memref<32x64x512xf32, #tpu.memory_space<hbm>> -> memref<1x64x512xf32, #tpu.memory_space<hbm>>
      %dma_start3A_9 = tpu.memref_squeeze %dma_start3A_8 : memref<1x64x512xf32, #tpu.memory_space<hbm>> -> memref<64x512xf32, #tpu.memory_space<hbm>>
      tpu.enqueue_dma source(%arg7 : memref<64x512xf32, #tpu.memory_space<vmem>>) target(%dma_start3A_9 : memref<64x512xf32, #tpu.memory_space<hbm>>) target_semaphore(%run_scoped3A : memref<!tpu.dma_semaphore, #tpu.memory_space<semaphore_mem>>)
      %dma_wait3A = arith.constant 0 : i32
      %dma_wait3A_10 = arith.constant 0 : i32
      %dma_wait3A_11 = tpu.memref_slice %arg4[%add3A, %dma_wait3A, %dma_wait3A_10] : memref<32x64x512xf32, #tpu.memory_space<hbm>> -> memref<1x64x512xf32, #tpu.memory_space<hbm>>
      %dma_wait3A_12 = tpu.memref_squeeze %dma_wait3A_11 : memref<1x64x512xf32, #tpu.memory_space<hbm>> -> memref<64x512xf32, #tpu.memory_space<hbm>>
      %dma_wait3A_13 = arith.constant 0 : i32
      %dma_wait3A_14 = arith.constant 0 : i32
      %dma_wait3A_15 = tpu.memref_slice %arg4[%add3A, %dma_wait3A_13, %dma_wait3A_14] : memref<32x64x512xf32, #tpu.memory_space<hbm>> -> memref<1x64x512xf32, #tpu.memory_space<hbm>>
      %dma_wait3A_16 = tpu.memref_squeeze %dma_wait3A_15 : memref<1x64x512xf32, #tpu.memory_space<hbm>> -> memref<64x512xf32, #tpu.memory_space<hbm>>
      tpu.wait_dma2 semaphore(%run_scoped3A : memref<!tpu.dma_semaphore, #tpu.memory_space<semaphore_mem>>) src(%arg7 : memref<64x512xf32, #tpu.memory_space<vmem>>) dst(%dma_wait3A_16 : memref<64x512xf32, #tpu.memory_space<hbm>>)
      tpu.yield
    }) : () -> ()
    return
  }
}

module attributes {stable_mosaic.version = 14 : i64} {
  func.func @_ids_body(%arg0: i32, %arg1: i32, %arg2: memref<1x512x2048xf32, #tpu.memory_space<vmem>>, %arg3: memref<64x512xf32, #tpu.memory_space<vmem>>, %arg4: memref<64x1xf32, #tpu.memory_space<vmem>>, %arg5: memref<64x1xf32, #tpu.memory_space<vmem>>, %arg6: memref<1024x64xf32, #tpu.memory_space<vmem>>, %arg7: memref<1x1x2048xi32, #tpu.memory_space<vmem>>) attributes {dimension_semantics = [#tpu.dimension_semantics<arbitrary>, #tpu.dimension_semantics<arbitrary>], iteration_bounds = array<i64: 8, 1>, scalar_prefetch = 0 : i64, scratch_operands = 0 : i64, tpu.core_type = #tpu.core_type<tc>, window_params = [{transform_indices = @transform_0, window_bounds = array<i64: 1, 512, 2048>}, {pipeline_mode = #tpu.pipeline_mode<synchronous>, transform_indices = @transform_1, window_bounds = array<i64: 64, 512>}, {pipeline_mode = #tpu.pipeline_mode<synchronous>, transform_indices = @transform_2, window_bounds = array<i64: 64, 1>}, {pipeline_mode = #tpu.pipeline_mode<synchronous>, transform_indices = @transform_3, window_bounds = array<i64: 64, 1>}, {pipeline_mode = #tpu.pipeline_mode<synchronous>, transform_indices = @transform_4, window_bounds = array<i64: 1024, 64>}, {transform_indices = @transform_5, window_bounds = array<i64: 1, 1, 2048>}]} {
    %get3A = arith.constant 0 : index
    %get3A_0 = arith.constant 0 : index
    %get3A_1 = vector.load %arg3[%get3A, %get3A_0] : memref<64x512xf32, #tpu.memory_space<vmem>>, vector<64x512xf32>
    %mul3A = arith.mulf %get3A_1, %get3A_1 : vector<64x512xf32>
    %reduce_sum3A = arith.constant dense<0.000000e+00> : vector<64xf32>
    %reduce_sum3A_2 = vector.multi_reduction <add>, %mul3A, %reduce_sum3A [1] : vector<64x512xf32> to vector<64xf32>
    %broadcast_in_dim3A = vector.shape_cast %reduce_sum3A_2 : vector<64xf32> to vector<64x1xf32>
    %sqrt3A = math.sqrt %broadcast_in_dim3A : vector<64x1xf32>
    %get3A_3 = arith.constant 0 : index
    %get3A_4 = arith.constant 0 : index
    %get3A_5 = vector.load %arg4[%get3A_3, %get3A_4] : memref<64x1xf32, #tpu.memory_space<vmem>>, vector<64x1xf32>
    %mul3A_6 = vector.broadcast %get3A_5 : vector<64x1xf32> to vector<64x512xf32>
    %mul3A_7 = arith.mulf %mul3A_6, %get3A_1 : vector<64x512xf32>
    %div3A = vector.broadcast %sqrt3A : vector<64x1xf32> to vector<64x512xf32>
    %div3A_8 = arith.divf %mul3A_7, %div3A : vector<64x512xf32>
    %get3A_9 = arith.constant 0 : index
    %get3A_10 = arith.constant 0 : index
    %get3A_11 = arith.constant 0 : index
    %get3A_12 = vector.load %arg2[%get3A_9, %get3A_10, %get3A_11] : memref<1x512x2048xf32, #tpu.memory_space<vmem>>, vector<1x512x2048xf32>
    %get3A_13 = vector.shape_cast %get3A_12 : vector<1x512x2048xf32> to vector<512x2048xf32>
    %dot_general3A = arith.constant dense<0.000000e+00> : vector<64x2048xf32>
    %dot_general3A_14 = tpu.matmul %div3A_8, %get3A_13, %dot_general3A {dimension_numbers = #tpu.dot_dimension_numbers<[1], [0], [0], [1], [0, 0, 1, 1], [], []>, transpose_lhs_hint = false} : vector<64x512xf32>, vector<512x2048xf32>, vector<64x2048xf32> -> vector<64x2048xf32>
    %get3A_15 = arith.constant 0 : index
    %get3A_16 = arith.constant 0 : index
    %get3A_17 = vector.load %arg5[%get3A_15, %get3A_16] : memref<64x1xf32, #tpu.memory_space<vmem>>, vector<64x1xf32>
    %add3A = vector.broadcast %get3A_17 : vector<64x1xf32> to vector<64x2048xf32>
    %add3A_18 = arith.addf %dot_general3A_14, %add3A : vector<64x2048xf32>
    %get3A_19 = arith.constant 0 : index
    %get3A_20 = arith.constant 0 : index
    %get3A_21 = vector.load %arg6[%get3A_19, %get3A_20] : memref<1024x64xf32, #tpu.memory_space<vmem>>, vector<1024x64xf32>
    %add3A_22 = arith.addf %get3A_21, %get3A_21 : vector<1024x64xf32>
    %dot_general3A_23 = arith.constant dense<0.000000e+00> : vector<1024x2048xf32>
    %dot_general3A_24 = tpu.matmul %add3A_22, %add3A_18, %dot_general3A_23 {dimension_numbers = #tpu.dot_dimension_numbers<[1], [0], [0], [1], [0, 0, 1, 1], [], []>, transpose_lhs_hint = false} : vector<1024x64xf32>, vector<64x2048xf32>, vector<1024x2048xf32> -> vector<1024x2048xf32>
    %mul3A_25 = arith.mulf %add3A_18, %add3A_18 : vector<64x2048xf32>
    %reduce_sum3A_26 = arith.constant dense<0.000000e+00> : vector<2048xf32>
    %reduce_sum3A_27 = vector.multi_reduction <add>, %mul3A_25, %reduce_sum3A_26 [0] : vector<64x2048xf32> to vector<2048xf32>
    %broadcast_in_dim3A_28 = vector.shape_cast %reduce_sum3A_27 : vector<2048xf32> to vector<1x2048xf32>
    %mul3A_29 = arith.mulf %get3A_21, %get3A_21 : vector<1024x64xf32>
    %reduce_sum3A_30 = arith.constant dense<0.000000e+00> : vector<1024xf32>
    %reduce_sum3A_31 = vector.multi_reduction <add>, %mul3A_29, %reduce_sum3A_30 [1] : vector<1024x64xf32> to vector<1024xf32>
    %broadcast_in_dim3A_32 = vector.shape_cast %reduce_sum3A_31 : vector<1024xf32> to vector<1024x1xf32>
    %sub3A = vector.broadcast %broadcast_in_dim3A_28 : vector<1x2048xf32> to vector<1024x2048xf32>
    %sub3A_33 = arith.subf %sub3A, %dot_general3A_24 : vector<1024x2048xf32>
    %add3A_34 = vector.broadcast %broadcast_in_dim3A_32 : vector<1024x1xf32> to vector<1024x2048xf32>
    %add3A_35 = arith.addf %sub3A_33, %add3A_34 : vector<1024x2048xf32>
    %reduce_min3A = arith.constant dense<0x7F800000> : vector<2048xf32>
    %reduce_min3A_36 = vector.multi_reduction <minimumf>, %add3A_35, %reduce_min3A [0] : vector<1024x2048xf32> to vector<2048xf32>
    %broadcast_in_dim3A_37 = vector.shape_cast %reduce_min3A_36 : vector<2048xf32> to vector<1x2048xf32>
    %iota3A = tpu.iota {dimensions = array<i32: 0>} : vector<1024x2048xi32>
    %eq3A = vector.broadcast %broadcast_in_dim3A_37 : vector<1x2048xf32> to vector<1024x2048xf32>
    %eq3A_38 = arith.cmpf oeq, %add3A_35, %eq3A : vector<1024x2048xf32>
    %jit3A = arith.constant 1024 : i32
    %broadcast_in_dim3A_39 = vector.broadcast %jit3A : i32 to vector<1024x2048xi32>
    %select_n3A = arith.select %eq3A_38, %iota3A, %broadcast_in_dim3A_39 : vector<1024x2048xi1>, vector<1024x2048xi32>
    %reduce_min3A_40 = arith.constant dense<2147483647> : vector<2048xi32>
    %reduce_min3A_41 = vector.multi_reduction <minsi>, %select_n3A, %reduce_min3A_40 [0] : vector<1024x2048xi32> to vector<2048xi32>
    %swap3A = arith.constant 0 : index
    %swap3A_42 = arith.constant 0 : index
    %swap3A_43 = arith.constant 0 : index
    %swap3A_44 = vector.load %arg7[%swap3A, %swap3A_42, %swap3A_43] : memref<1x1x2048xi32, #tpu.memory_space<vmem>>, vector<1x1x2048xi32>
    %swap3A_45 = vector.shape_cast %swap3A_44 : vector<1x1x2048xi32> to vector<2048xi32>
    %swap3A_46 = vector.shape_cast %reduce_min3A_41 : vector<2048xi32> to vector<1x1x2048xi32>
    tpu.vector_store %arg7[%swap3A, %swap3A_42, %swap3A_43], %swap3A_46 {strides = array<i32>} : memref<1x1x2048xi32, #tpu.memory_space<vmem>>, vector<1x1x2048xi32>,
    return
  }
  func.func @transform_0(%arg0: i32, %arg1: i32) -> (i32, i32, i32) {
    %c0_i32 = arith.constant 0 : i32
    %c0_i32_0 = arith.constant 0 : i32
    return %arg0, %c0_i32, %arg1 : i32, i32, i32
  }
  func.func @transform_1(%arg0: i32, %arg1: i32) -> (i32, i32) {
    %c0_i32 = arith.constant 0 : i32
    %c0_i32_0 = arith.constant 0 : i32
    %c0_i32_1 = arith.constant 0 : i32
    return %c0_i32, %c0_i32_0 : i32, i32
  }
  func.func @transform_2(%arg0: i32, %arg1: i32) -> (i32, i32) {
    %c0_i32 = arith.constant 0 : i32
    %c0_i32_0 = arith.constant 0 : i32
    %c0_i32_1 = arith.constant 0 : i32
    return %c0_i32, %c0_i32_0 : i32, i32
  }
  func.func @transform_3(%arg0: i32, %arg1: i32) -> (i32, i32) {
    %c0_i32 = arith.constant 0 : i32
    %c0_i32_0 = arith.constant 0 : i32
    %c0_i32_1 = arith.constant 0 : i32
    return %c0_i32, %c0_i32_0 : i32, i32
  }
  func.func @transform_4(%arg0: i32, %arg1: i32) -> (i32, i32) {
    %c0_i32 = arith.constant 0 : i32
    %c0_i32_0 = arith.constant 0 : i32
    %c0_i32_1 = arith.constant 0 : i32
    return %c0_i32, %c0_i32_0 : i32, i32
  }
  func.func @transform_5(%arg0: i32, %arg1: i32) -> (i32, i32, i32) {
    %mul3A = arith.constant 1 : i32
    %mul3A_0 = arith.muli %arg0, %mul3A : i32
    %add3A = arith.addi %mul3A_0, %arg1 : i32
    %c0_i32 = arith.constant 0 : i32
    %c0_i32_1 = arith.constant 0 : i32
    %c0_i32_2 = arith.constant 0 : i32
    return %add3A, %c0_i32, %c0_i32_1 : i32, i32, i32
  }
}

</mosaic_0001>

<sc_bundles>
// kernel: kernel.4.cloned.1.call-start
scs
__scs_entry_jumppad:
0x0: {  	(pc) =	sbr.rel $0x88, $3  }
0x1: {  	(tag) =	ssettag $0x0;
	lr =	simm.s32 $0x1  }
0x2: {  	[smem:$0x3F9C] =	sst lr;
	_ =	strace $0xD0000000  }
0x3: {  	_ = 	snop  }
0x4: {  	_ = 	snop  }
0x5: {  	_ = 	snop  }
0x6: {  	_ = 	snop  }
0x7: {  	_ = 	snop  }
__scs_overlays_trampoline_lowered:
0x8: {  	[smem:$0x3FAB] =	sst s0  }
0x9: {  	[smem:$0x3FAC] =	sst s1  }
0xa: {  	[smem:$0x3FAD] =	sst s2  }
0xb: {  	[smem:$0x3FAE] =	sst s3  }
0xc: {  	[smem:$0x3FAF] =	sst s4  }
0xd: {  	[smem:$0x3FB0] =	sst s5  }
0xe: {  	[smem:$0x3FB1] =	sst s6  }
0xf: {  	[smem:$0x3FB2] =	sst s7  }
0x10: {  	[smem:$0x3FB3] =	sst s8  }
0x11: {  	[smem:$0x3FB4] =	sst s9;
	s0 =	simm.s32 @!p0 $0x0  }
0x12: {  	s1 =	sld [smem:$0x3F9A];
	s0 =	simm.s32 @p0 $0x1  }
0x13: {  	[smem:$0x3FB5] =	sst s0;
	s0 =	simm.s32 @!p1 $0x0  }
0x14: {  	s2 =	sld [smem:$0x3F99];
	s0 =	simm.s32 @p1 $0x1  }
0x15: {  	[smem:$0x3FB6] =	sst s0;
	s0 =	simm.s32 @!p2 $0x0  }
0x16: {  	s3 =	sld [smem:$0x3FDB];
	s0 =	simm.s32 @p2 $0x1  }
0x17: {  	s4 =	simm.s32 $0x1BF5;
	[smem:$0x3FB8] =	sst s0  }
0x18: {  	s0 =	sld [smem:$0x3F9B];
	_ =	swait.ge [sflag:s4], $0x0  }
0x19: {  	s7 =	sld [smem:$0x3F9C]  }
0x1a: {  	s8 =	sadd.s32 $0xFFFFE003, lr  }
0x1b: {  	s9 =	sadd.s32 $0xFFFFFEF7, lr;
	s5 =	simm.s32 $0xFFFFFFFF;
	p2 =	slt.u32 s8, $0xFFFFF086  }
0x1c: {  	p1 =	slt.u32 s9, $0xF7A;
	s5 =	simm.s32 @!p2 $0x0  }
0x1d: {  	s5 =	simm.s32 @p1 $0x1;
	p0 =	seq.s32 s7, s2  }
0x1e: {  	s7 =	smul.u32 @!p0 $0xF7A, s2;
	p2 =	seq.s32 @!p0 s5, $0x0  }
0x1f: {  	s9 =	smul.u32 $0xF7A, s1;
	s8 =	simm.s32 @!p0 $0x1BF5;
	p2 =	por !p2, p0  }
0x20: {  	[sflag:s8] =	ssyncset.s32 @!p0 $0xFFFFF086;
	s6 =	sadd.s32 @!p0 s3, s7;
	s7 =	simm.s32 @!p0 $0x108  }
0x21: {  	s3 =	sadd.s32 s3, s9;
	s6 =	sadd.s32 @!p0 $0x88, s6;
	s7 =	simm.s32 @p2 $0x1082  }
0x22: {  	[simem:s7], [sflag:s8] =	dma.local @!p0 [hbm:s6], $0xF7A  }
0x23: {  	s9 =	sor.u32 $0xD0000000, s2;
	s6 =	simm.s32 $0x108;
	_ =	swait.ge @!p0 [sflag:s8], $0x0  }
0x24: {  	s3 =	sadd.s32 $0x88, s3;
	s6 =	simm.s32 @!p1 $0x1082;
	[sflag:s4] =	ssyncset.s32 $0xFFFFF086  }
0x25: {  	[simem:s6], [sflag:s4] =	dma.local [hbm:s3], $0xF7A  }
0x26: {  	[smem:$0x3F9C] =	sst s1;
	(tag) =	ssettag s2;
	_ =	strace s9  }
0x27: {  	s1 =	sld [smem:$0x3FAC]  }
0x28: {  	s2 =	sld [smem:$0x3FAD]  }
0x29: {  	s4 =	sld [smem:$0x3FAF]  }
0x2a: {  	p0 =	seq.s32 s5, $0x0;
	s5 =	sld [smem:$0x3FB0]  }
0x2b: {  	s6 =	sld [smem:$0x3FB1]  }
0x2c: {  	s7 =	sld [smem:$0x3FB2]  }
0x2d: {  	s3 =	simm.s32 $0x108;
	s8 =	sld [smem:$0x3FB3]  }
0x2e: {  	s3 =	simm.s32 @!p0 $0x1082;
	s9 =	sld [smem:$0x3FB4]  }
0x2f: {  	lr =	sadd.s32 s0, s3;
	s0 =	sld [smem:$0x3FAB]  }
0x30: {  	s3 =	sld [smem:$0x3FAE]  }
0x31: {  	[smem:$0x3FB7] =	sst s10  }
0x32: {  	s10 =	sld [smem:$0x3FB5];
	_ =	sdelay $0x3  }
0x33: {  	p0 =	seq.s32 s10, $0x1;
	s10 =	sld [smem:$0x3FB7];
	_ =	sdelay $0x3  }
0x34: {  	[smem:$0x3FB7] =	sst s10  }
0x35: {  	s10 =	sld [smem:$0x3FB6];
	_ =	sdelay $0x3  }
0x36: {  	p1 =	seq.s32 s10, $0x1;
	s10 =	sld [smem:$0x3FB7];
	_ =	sdelay $0x3  }
0x37: {  	[smem:$0x3FB7] =	sst s10  }
0x38: {  	s10 =	sld [smem:$0x3FB8]  }
0x39: {  	_ = 	snop;
	(pc) =	sbr.ind lr, $3  }
0x3a: {  	_ = 	snop  }
0x3b: {  	_ = 	snop  }
0x3c: {  	p2 =	seq.s32 s10, $0x1;
	s10 =	sld [smem:$0x3FB7]  }
0x3d: {  	_ =	shalt  }
0x3e: {  	_ =	shalt  }
0x3f: {  	_ =	shalt  }
0x40: {  	_ =	shalt  }
0x41: {  	_ =	shalt  }
0x42: {  	_ =	shalt  }
0x43: {  	_ =	shalt  }
0x44: {  	_ =	shalt  }
0x45: {  	_ =	shalt  }
0x46: {  	_ =	shalt  }
0x47: {  	_ =	shalt  }
0x48: {  	_ =	shalt  }
0x49: {  	_ =	shalt  }
0x4a: {  	_ =	shalt  }
0x4b: {  	_ =	shalt  }
0x4c: {  	_ =	shalt  }
0x4d: {  	_ =	shalt  }
0x4e: {  	_ =	shalt  }
0x4f: {  	_ =	shalt  }
0x50: {  	_ =	shalt  }
0x51: {  	_ =	shalt  }
0x52: {  	_ =	shalt  }
0x53: {  	_ =	shalt  }
0x54: {  	_ =	shalt  }
0x55: {  	_ =	shalt  }
0x56: {  	_ =	shalt  }
0x57: {  	_ =	shalt  }
0x58: {  	_ =	shalt  }
0x59: {  	_ =	shalt  }
0x5a: {  	_ =	shalt  }
0x5b: {  	_ =	shalt  }
0x5c: {  	_ =	shalt  }
0x5d: {  	_ =	shalt  }
0x5e: {  	_ =	shalt  }
0x5f: {  	_ =	shalt  }
0x60: {  	_ =	shalt  }
0x61: {  	_ =	shalt  }
0x62: {  	_ =	shalt  }
0x63: {  	_ =	shalt  }
0x64: {  	_ =	shalt  }
0x65: {  	_ =	shalt  }
0x66: {  	_ =	shalt  }
0x67: {  	_ =	shalt  }
0x68: {  	_ =	shalt  }
0x69: {  	_ =	shalt  }
0x6a: {  	_ =	shalt  }
0x6b: {  	_ =	shalt  }
0x6c: {  	_ =	shalt  }
0x6d: {  	_ =	shalt  }
0x6e: {  	_ =	shalt  }
0x6f: {  	_ =	shalt  }
0x70: {  	_ =	shalt  }
0x71: {  	_ =	shalt  }
0x72: {  	_ =	shalt  }
0x73: {  	_ =	shalt  }
0x74: {  	_ =	shalt  }
0x75: {  	_ =	shalt  }
0x76: {  	_ =	shalt  }
0x77: {  	_ =	shalt  }
0x78: {  	_ =	shalt  }
0x79: {  	_ =	shalt  }
0x7a: {  	_ =	shalt  }
0x7b: {  	_ =	shalt  }
0x7c: {  	_ =	shalt  }
0x7d: {  	_ =	shalt  }
0x7e: {  	_ =	shalt  }
0x7f: {  	_ =	shalt  }
0x80: {  	_ =	shalt  }
0x81: {  	_ =	shalt  }
0x82: {  	_ =	shalt  }
0x83: {  	_ =	shalt  }
0x84: {  	_ =	shalt  }
0x85: {  	_ =	shalt  }
0x86: {  	_ =	shalt  }
0x87: {  	_ =	shalt  }
.Lfunc_end0:
.L_simem_size_0:
called_computation_lowered:
.L_overlay_start_0:
0x88: {  	s2 =	sld [smem:$0x3FD9]  }
0x89: {  	s3 =	sld [smem:$0x3FFE];
	_ =	sdelay $0x1  }
0x8a: {  	s1 =	srdreg.scid  }
0x8b: {  	s0 =	sand.u32 $0x1, s1  }
0x8c: {  	s14 =	sshll.u32 s0, $0xA;
	s2 =	sadd.s32 s3, s2  }
0x8d: {  	s2 =	sadd.s32 s2, s14  }
0x8e: {  	[smem:$0x3FC3] =	sst s2  }
0x8f: {  	_ = 	snop  }
0x90: {  	s2 =	sld [smem:$0x3FD0];
	_ =	sdelay $0x2  }
0x91: {  	s15 =	simm.s32 $0xA;
	s4 =	simm.s32 $0x10  }
0x92: {  	[smem:s4], [sflag:s15] =	dma.local [hbm:s2], $0x1  }
0x93: {  	_ =	swait.eq [sflag:s15], $0x1  }
0x94: {  	[sflag:s15] =	ssyncset.done $0x0  }
0x95: {  	[sflag:s15] =	ssyncadd.s32 $0xFFFFFFFF  }
0x96: {  	s16 =	sld [smem:$0x10];
	(tm) =	ssettm $0x1  }
0x97: {  	s17 =	sld [smem:$0x3FFB];
	_ =	sdelay $0x3  }
0x98: {  	_ =	strace s17  }
0x99: {  	s3 =	sld [smem:$0x3FFC];
	_ =	sdelay $0x3  }
0x9a: {  	_ =	strace s3  }
0x9b: {  	s3 =	sld [smem:$0x3FFD];
	_ =	sdelay $0x3  }
0x9c: {  	_ =	strace s3  }
0x9d: {  	_ =	strace $0x8FFFFFFF  }
0x9e: {  	s18 =	sld [smem:$0x3FDB];
	_ =	sdelay $0x1  }
0x9f: {  	s19 =	simm.s32 $_scs_section_size  }
0xa0: {  	s5 =	simm.s32 $_size__tile_overlayer_lowered;
	s6 =	simm.s32 $_tile_overlayer_lowered  }
0xa1: {  	s22 =	simm.s32 $0x1BFF;
	s21 =	sshll.u32 s6, $0x1;
	s3 =	sadd.s32 s19, s18  }
0xa2: {  	s7 =	simm.s32 $0x0;
	s20 =	sshll.u32 s5, $0x1;
	s5 =	sadd.s32 s21, s3  }
0xa3: {  	[timem:s7], [sflag:s22] =	dma.local [hbm:s5], s20  }
0xa4: {  	_ =	swait.ge [sflag:s22], s20  }
0xa5: {  	s4 =	ssub.s32 $0x0, s20;
	[sflag:s22] =	ssyncset.done $0x0  }
0xa6: {  	[sflag:s22] =	ssyncadd.s32 s4;
	_ =	sdelay $0x1  }
0xa7: {  	s23 =	simm.s32 $0x1B8B  }
0xa8: {  	_ =	swait.ge [sflag:s23], $0x1  }
0xa9: {  	[sflag:s23] =	ssyncset.done $0x0  }
0xaa: {  	s25 =	simm.s32 $0x1B8E;
	s24 =	sld [smem:$0x3FFE];
	[sflag:s23] =	ssyncadd.s32 $0xFFFFFFFF  }
0xab: {  	s26 =	simm.s32 $execute0_lowered;
	[smem:$0x3FD2] =	sst s25  }
0xac: {  	s5 =	sshll.u32 s26, $0x1;
	_ =	strace $0x80000046;
	[dreg:$0x1] =	wrdreg $0xFFFFFFFF  }
0xad: {  	s28 =	simm.s32 $_size_execute0_lowered;
	s3 =	sadd.s32 s3, s5;
	[dreg:$0x0] =	wrdreg $0x0  }
0xae: {  	s5 =	sshll.u32 s28, $0x1;
	[dreg:$0x2] =	wrdreg s3  }
0xaf: {  	[dreg:$0x3] =	wrdreg s5  }
0xb0: {  	[dreg:$0x4] =	wrdreg $0xC0  }
0xb1: {  	_ =	task [dreg:s7], $0x5FFFF  }
0xb2: {  	[dreg:$0x1] =	wrdreg $0xFFFFFFFF  }
0xb3: {  	[dreg:$0x0] =	wrdreg $0x60  }
0xb4: {  	[dreg:$0x2] =	wrdreg s24  }
0xb5: {  	[dreg:$0x3] =	wrdreg s16  }
0xb6: {  	[dreg:$0x4] =	wrdreg $0x9  }
0xb7: {  	_ =	task.clear_ibuf [dreg:s7], $0x5FFFF;
	_ =	strace $0x90000046  }
0xb8: {  	s29 =	simm.s32 $0x9;
	_ =	strace $0x80000048  }
0xb9: {  	_ =	swait.ge [sflag:s29], $0x1  }
0xba: {  	[sflag:s29] =	ssyncadd.s32 $0xFFFFFFFF  }
0xbb: {  	_ =	strace $0x90000048  }
0xbc: {  	_ =	sfence  }
0xbd: {  	s30 =	sld [smem:$0x0];
	_ =	sdelay $0x2  }
0xbe: {  	s31 =	sshll.u32 s1, $0xD;
	s1 =	sshrl.u32 s1, $0x2  }
0xbf: {  	s3 =	sand.u32 $0x4000, s31;
	s1 =	sadd.s32 s1, s30  }
0xc0: {  	s0 =	sor.u32 s3, s0;
	s1 =	sshll.u32 s1, $0x11  }
0xc1: {  	s0 =	sor.u32 s1, s0  }
0xc2: {  	s0 =	sadd.s32 $0x8F2B, s0  }
0xc3: {  	[sflag:s0] =	ssyncadd.remote.s32 $0x1  }
0xc4: {  	_ =	sfence.sel $0xFFFF  }
0xc5: {  	[dreg:$0x0] =	wrdreg $0xFFFFFFFF;
	(pc) =	sbr.abs _section_cstart, $3  }
0xc6: {  	[dreg:$0x1] =	wrdreg $0xFFFFFFFF  }
0xc7: {  	_ =	task.clear_ibuf [dreg:s7], $0x2FFFF;
	_ =	strace $0x9FFFFFFF  }
0xc8: {  	(tm) =	ssettm $0x7FFFFFFF  }
0xc9: {  	_ =	shalt  }
tec
execute0_lowered:
.L_overlay_start_1:
0x0: {  	(tag) =	ssettag $0x1  }
0x1: {  	s3 =	rddreg [dreg:$0x0];
	s1 =	srdreg.scid  }
0x2: {  	s0 =	stileid.u32;
	s5 =	rddreg [dreg:$0x1]  }
0x3: {  	s2 =	simm.s32 $0x0;
	s4 =	sand.u32 $0x1, s1;
	s6 =	sshll.u32 s0, $0x1  }
0x4: {  	s1 =	rddreg [dreg:$0x2];
	s6 =	sor.u32 s4, s6;
	s31 =	ssub.s32 $0x2, s4  }
0x5: {  	[smem:$0x7FF] =	sst s2;
	s7 =	sshll.u32 s6, $0x6;
	s8 =	sshrl.u32 s31, $0x1  }
0x6: {  	_ =	strace $0x80000047;
	s3 =	sadd.s32 s7, s3;
	s7 =	ssub.s32 s31, s8  }
0x7: {  	s4 =	sadd.s32 $0x400, s3;
	s3 =	simm.s32 $0x1;
	s7 =	smax.u32 s7, $0x1  }
0x8: {  	[tilespmem:s2], [sflag:$0x1] =	stream.linear.gather [hbm4b:s4+s2], $0x200, $0x38;
	[tilespmem:$0x8200] =	vst v63  }
0x9: {  	p0 =	sne.s32 s7, $0x1;
	_ =	swait.ge [sflag:s3], $0x200  }
.Ltmp0:
0xa: {  	s6 =	sshll.u32 s6, $0xC;
	[sflag:s3] =	ssyncset.done $0x0;
	(pc) =	sbr.rel @!p0 .LBB2_2-.Ltmp0, $4  }
0xb: {  	s5 =	sadd.s32 s5, s6;
	s6 =	simm.s32 $0x200;
	[sflag:s3] =	ssyncadd.s32 $0xFFFFFE00  }
0xc: {  	[hbm4b:s5+s2] =	stream.linear.scatter [tilespmem:s6], [sflag:$0x1], $0x8000, $0x38;
	[tilespmem:$0x8200] =	vst v63  }
0xd: {  	_ =	swait.ge [sflag:s3], $0x8000  }
0xe: {  	s7 =	sadd.s32 $0xFFFFFFFF, s7;
	[sflag:s3] =	ssyncset.done $0x0  }
.LBB2_1:
0xf: {  	p0 =	sne.s32 s7, $0x1;
	s7 =	sadd.s32 $0xFFFFFFFF, s7;
	[sflag:s3] =	ssyncadd.s32 $0xFFFF8000  }
0x10: {  	[tilespmem:s2], [sflag:$0x1] =	stream.linear.gather [hbm4b:s4+s2], $0x200, $0x38;
	[tilespmem:$0x8200] =	vst v63  }
0x11: {  	_ =	swait.ge [sflag:s3], $0x200  }
.Ltmp1:
0x12: {  	[sflag:s3] =	ssyncset.done $0x0;
	(pc) =	sbr.rel @p0 .LBB2_1-.Ltmp1, $4  }
0x13: {  	[sflag:s3] =	ssyncadd.s32 $0xFFFFFE00  }
0x14: {  	[hbm4b:s5+s2] =	stream.linear.scatter [tilespmem:s6], [sflag:$0x1], $0x8000, $0x38;
	[tilespmem:$0x8200] =	vst v63  }
0x15: {  	_ =	swait.ge [sflag:s3], $0x8000  }
0x16: {  	[sflag:s3] =	ssyncset.done $0x0  }
.LBB2_2:
0x17: {  	[sflag:s3] =	ssyncadd.s32 $0xFFFF8000  }
0x18: {  	_ =	sfence.sel $0x180000  }
0x19: {  	[bflag:$0x0] =	sbarrier.arrive $0xFFFF  }
0x1a: {  	p0 =	sne.s32 s0, $0x0;
	_ =	strace $0x90000047  }
0x1b: {  	s0 =	sadd.s32 @!p0 $0x100000, s1;
	[bflag:$0x2] =	sbarrier.arrive $0xFFFF  }
0x1c: {  	[sflag:s0] =	ssyncadd.tile.s32 @!p0 $0x1;
	_ =	shalt  }
.Lfunc_end2:
_tile_overlayer_lowered:
.L_overlay_start_2:
0x1d: {  	(tag) =	ssettag $0x2  }
0x1e: {  	s0 =	rddreg [dreg:$0x0];
	s2 =	stileid.u32  }
0x1f: {  	s1 =	rddreg [dreg:$0x1];
	p0 =	sne.s32 s2, $0x0  }
0x20: {  	s3 =	rddreg [dreg:$0x2];
	[bflag:$0x3] =	sbarrier.arrive $0xFFFF;
	s2 =	simm.s32 @!p0 $0x1C01  }
0x21: {  	[timem:s3], [sflag:s2] =	dma.local @!p0 [hbm:s0], s1  }
0x22: {  	s0 =	simm.s32 @!p0 $0x1  }
0x23: {  	_ =	swait.ge @!p0 [sflag:s0], s1  }
0x24: {  	s1 =	ssub.s32 @!p0 $0x0, s1;
	[sflag:s0] =	ssyncset.done @!p0 $0x0  }
0x25: {  	[sflag:s0] =	ssyncadd.s32 @!p0 s1  }
0x26: {  	[bflag:$0x3] =	sbarrier.arrive $0xFFFF  }
0x27: {  	_ =	shalt  }

</sc_bundles>
